<compile_context>
chip_gen: v7x
topology: tpu7x:2x2x1
jax: 0.10.2.dev20260603
libtpu: 0.0.44.dev20260713+nightly
codegen_flags: <defaults>
</compile_context>

<pallas_src>
import functools

import jax
import jax.numpy as jnp
from jax import lax
from jax.experimental import pallas as pl
from jax.experimental.pallas import tpu as pltpu
from jax.experimental.pallas import tpu_sc as plsc

NN = 10000
EE = 320000
DD = 128
XW = 144
HH = 384
OO = 128

CHUNK = 80
BE = 512


def _make_gather_kernel():
    info = plsc.get_sparse_core_info()
    nc, ns = info.num_cores, info.num_subcores
    nw = nc * ns
    per_w = EE // nw
    n_chunks = per_w // CHUNK

    mesh = plsc.VectorSubcoreMesh(core_axis_name="c", subcore_axis_name="s")

    @functools.partial(
        pl.kernel,
        mesh=mesh,
        compiler_params=pltpu.CompilerParams(use_tc_tiling_on_sc=False),
        out_type=jax.ShapeDtypeStruct((2, EE, XW), jnp.float32),
        scratch_types=[
            pltpu.VMEM((CHUNK,), jnp.int32),
            pltpu.VMEM((CHUNK,), jnp.int32),
            pltpu.VMEM((CHUNK, XW), jnp.float32),
            pltpu.VMEM((CHUNK, XW), jnp.float32),
            pltpu.SemaphoreType.DMA,
            pltpu.SemaphoreType.DMA,
        ],
    )
    def gather_k(x_hbm, src_hbm, dst_hbm, g_hbm, idx_s, idx_d, rows_s, rows_d, sem_s, sem_d):
        wid = lax.axis_index("s") * nc + lax.axis_index("c")
        wbase = wid * per_w

        def body(k, carry):
            base = wbase + k * CHUNK
            pltpu.sync_copy(src_hbm.at[pl.ds(base, CHUNK)], idx_s)
            pltpu.sync_copy(dst_hbm.at[pl.ds(base, CHUNK)], idx_d)
            cp_s = pltpu.async_copy(x_hbm.at[idx_s], rows_s, sem_s)
            cp_d = pltpu.async_copy(x_hbm.at[idx_d], rows_d, sem_d)
            cp_s.wait()
            cp_d.wait()
            pltpu.sync_copy(rows_s, g_hbm.at[0, pl.ds(base, CHUNK)])
            pltpu.sync_copy(rows_d, g_hbm.at[1, pl.ds(base, CHUNK)])
            return carry

        lax.fori_loop(0, n_chunks, body, 0)

    return gather_k


def _mlp_body(g_ref, wsx_ref, wdx_ref, b1_ref, w2_ref, b2_ref, o_ref):
    gs = g_ref[0]
    gd = g_ref[1]
    acc = jnp.dot(gs, wsx_ref[...], preferred_element_type=jnp.float32)
    acc = acc + jnp.dot(gd, wdx_ref[...], preferred_element_type=jnp.float32)
    h = jnp.maximum(acc + b1_ref[...], 0.0)
    o_ref[...] = jnp.dot(h, w2_ref[...], preferred_element_type=jnp.float32) + b2_ref[...]


def kernel(node_features, edge_index, temporal_info, W1, b1, W2, b2):
    x = jnp.concatenate(
        [
            node_features,
            temporal_info[:, None],
            jnp.zeros((NN, XW - DD - 1), jnp.float32),
        ],
        axis=1,
    )
    src = edge_index[0]
    dst = edge_index[1]

    w1t = W1[:, 2 * DD, :]
    wsrc = jnp.transpose(W1[:, :DD, :], (1, 0, 2)).reshape(DD, HH)
    wdst = jnp.transpose(W1[:, DD:2 * DD, :], (1, 0, 2)).reshape(DD, HH)
    pad = jnp.zeros((XW - DD - 1, HH), jnp.float32)
    wsx = jnp.concatenate([wsrc, w1t.reshape(1, HH), pad], axis=0)
    wdx = jnp.concatenate([wdst, -w1t.reshape(1, HH), pad], axis=0)
    b1cat = b1.reshape(1, HH)
    w2cat = W2.reshape(HH, OO) / 3.0
    b2bar = jnp.mean(b2, axis=0).reshape(1, OO)

    g = _make_gather_kernel()(x, src, dst)

    out = pl.pallas_call(
        _mlp_body,
        grid=(EE // BE,),
        in_specs=[
            pl.BlockSpec((2, BE, XW), lambda i: (0, i, 0)),
            pl.BlockSpec((XW, HH), lambda i: (0, 0)),
            pl.BlockSpec((XW, HH), lambda i: (0, 0)),
            pl.BlockSpec((1, HH), lambda i: (0, 0)),
            pl.BlockSpec((HH, OO), lambda i: (0, 0)),
            pl.BlockSpec((1, OO), lambda i: (0, 0)),
        ],
        out_specs=pl.BlockSpec((BE, OO), lambda i: (i, 0)),
        out_shape=jax.ShapeDtypeStruct((EE, OO), jnp.float32),
    )(g, wsx, wdx, b1cat, w2cat, b2bar)
    return out

# --- scband reference (transcript-rebuilt; emitter-appended) ---
"""Pipeline reference for scband-vslnet-3289944949565 (READ-ONLY COPY).

The authoritative reference and input builder live on the scoring server;
editing this copy changes nothing except your own understanding.
"""

import jax, jax.numpy as jnp
import numpy as np

N = 10000
E = 320000
D = 128          # per-node feature dim
IN_DIM = 2 * D   # module's in_dim (concat of src+dst features)
OUT_DIM = 128
SCALES = 3


def setup_inputs(seed: int = 0) -> dict:
    key = jax.random.key(seed)
    ks = jax.random.split(key, 8)
    node_features = jax.random.normal(ks[0], (N, D), dtype=jnp.float32)
    edge_index = jax.random.randint(ks[1], (2, E), 0, N)
    temporal_info = jax.random.uniform(ks[2], (N,), dtype=jnp.float32)
    # Learned params: per-scale 2-layer MLP, Linear(in_dim+1 -> out_dim), Linear(out_dim -> out_dim)
    W1 = jax.random.normal(ks[3], (SCALES, IN_DIM + 1, OUT_DIM), dtype=jnp.float32) * 0.05
    b1 = jnp.zeros((SCALES, OUT_DIM), dtype=jnp.float32)
    W2 = jax.random.normal(ks[4], (SCALES, OUT_DIM, OUT_DIM), dtype=jnp.float32) * 0.05
    b2 = jnp.zeros((SCALES, OUT_DIM), dtype=jnp.float32)
    return {
        "node_features": node_features,
        "edge_index": edge_index,
        "temporal_info": temporal_info,
        "W1": W1, "b1": b1, "W2": W2, "b2": b2,
    }


def reference(node_features, edge_index, temporal_info, W1, b1, W2, b2):
    src = edge_index[0]
    dest = edge_index[1]
    # gather src/dst node features and concat
    edge_features = jnp.concatenate(
        [jnp.take(node_features, src, axis=0), jnp.take(node_features, dest, axis=0)],
        axis=-1,
    )
    temporal_gap = jnp.take(temporal_info, src, axis=0) - jnp.take(temporal_info, dest, axis=0)
    edge_features = jnp.concatenate([edge_features, temporal_gap[:, None]], axis=-1)
    tokens = []
    for s in range(SCALES):
        h = jax.nn.relu(edge_features @ W1[s] + b1[s])
        tokens.append(h @ W2[s] + b2[s])
    multi_scale_tokens = jnp.stack(tokens, axis=0).mean(axis=0)
    return multi_scale_tokens

if __name__ == "__main__":
    import jax
    _d = setup_inputs()
    print(jax.jit(kernel)(*tuple(_d.values())))

</pallas_src>

<mosaic_0001>
#map = affine_map<(d0, d1) -> (0, 0)>
#map1 = affine_map<(d0, d1) -> (0)>
#map2 = affine_map<(d0, d1) -> (0, 0, 0)>
module attributes {stable_mosaic.version = 14 : i64} {
  func.func @gather_k(%arg0: i32, %arg1: i32, %arg2: memref<10000x144xf32, #tpu.memory_space<hbm>>, %arg3: memref<320000xi32, #tpu.memory_space<hbm>>, %arg4: memref<320000xi32, #tpu.memory_space<hbm>>, %arg5: memref<2x320000x144xf32, #tpu.memory_space<hbm>>, %arg6: memref<80xi32, #tpu.memory_space<vmem>>, %arg7: memref<80xi32, #tpu.memory_space<vmem>>, %arg8: memref<80x144xf32, #tpu.memory_space<vmem>>, %arg9: memref<80x144xf32, #tpu.memory_space<vmem>>, %arg10: memref<!tpu.dma_semaphore, #tpu.memory_space<semaphore_mem>>, %arg11: memref<!tpu.dma_semaphore, #tpu.memory_space<semaphore_mem>>) attributes {dimension_semantics = [#tpu.dimension_semantics<core_parallel>, #tpu.dimension_semantics<subcore_parallel>], iteration_bounds = array<i64: 2, 16>, scalar_prefetch = 0 : i64, scratch_operands = 6 : i64, tpu.core_type = #tpu.core_type<sc_vector_subcore>, window_params = [{transform_indices = #map}, {transform_indices = #map1}, {transform_indices = #map1}, {transform_indices = #map2}]} {
    %mul3A = arith.constant 2 : i32
    %mul3A_0 = arith.muli %arg1, %mul3A : i32
    %add3A = arith.addi %mul3A_0, %arg0 : i32
    %mul3A_1 = arith.constant 10000 : i32
    %mul3A_2 = arith.muli %add3A, %mul3A_1 : i32
    %scan3A = arith.constant 0 : i32
    %scan3A_3 = arith.constant 0 : i32
    %scan3A_4 = arith.constant 125 : i32
    %scan3A_5 = arith.addi %scan3A_3, %scan3A_4 : i32
    %scan3A_6 = arith.constant 1 : i32
    scf.for %scan3A_8 = %scan3A_3 to %scan3A_5 step %scan3A_6  : i32 {
      %mul3A_9 = arith.constant 80 : i32
      %mul3A_10 = arith.muli %scan3A_8, %mul3A_9 : i32
      %add3A_11 = arith.addi %mul3A_2, %mul3A_10 : i32
      "tpu.region"() ({
        %run_scoped3A_23 = tpu.sem_alloc : memref<!tpu.dma_semaphore, #tpu.memory_space<semaphore_mem>>
        %dma_start3A_24 = tpu.memref_slice %arg3[%add3A_11] : memref<320000xi32, #tpu.memory_space<hbm>> -> memref<80xi32, #tpu.memory_space<hbm>>
        %dma_start3A_25 = tpu.memref_slice %arg3[%add3A_11] : memref<320000xi32, #tpu.memory_space<hbm>> -> memref<80xi32, #tpu.memory_space<hbm>>
        tpu.enqueue_dma source(%dma_start3A_25 : memref<80xi32, #tpu.memory_space<hbm>>) target(%arg6 : memref<80xi32, #tpu.memory_space<vmem>>) target_semaphore(%run_scoped3A_23 : memref<!tpu.dma_semaphore, #tpu.memory_space<semaphore_mem>>)
        %dma_wait3A_26 = tpu.memref_slice %arg3[%add3A_11] : memref<320000xi32, #tpu.memory_space<hbm>> -> memref<80xi32, #tpu.memory_space<hbm>>
        %dma_wait3A_27 = tpu.memref_slice %arg3[%add3A_11] : memref<320000xi32, #tpu.memory_space<hbm>> -> memref<80xi32, #tpu.memory_space<hbm>>
        tpu.wait_dma2 semaphore(%run_scoped3A_23 : memref<!tpu.dma_semaphore, #tpu.memory_space<semaphore_mem>>) src(%dma_wait3A_27 : memref<80xi32, #tpu.memory_space<hbm>>) dst(%arg6 : memref<80xi32, #tpu.memory_space<vmem>>)
        tpu.yield
      }) : () -> ()
      "tpu.region"() ({
        %run_scoped3A_23 = tpu.sem_alloc : memref<!tpu.dma_semaphore, #tpu.memory_space<semaphore_mem>>
        %dma_start3A_24 = tpu.memref_slice %arg4[%add3A_11] : memref<320000xi32, #tpu.memory_space<hbm>> -> memref<80xi32, #tpu.memory_space<hbm>>
        %dma_start3A_25 = tpu.memref_slice %arg4[%add3A_11] : memref<320000xi32, #tpu.memory_space<hbm>> -> memref<80xi32, #tpu.memory_space<hbm>>
        tpu.enqueue_dma source(%dma_start3A_25 : memref<80xi32, #tpu.memory_space<hbm>>) target(%arg7 : memref<80xi32, #tpu.memory_space<vmem>>) target_semaphore(%run_scoped3A_23 : memref<!tpu.dma_semaphore, #tpu.memory_space<semaphore_mem>>)
        %dma_wait3A_26 = tpu.memref_slice %arg4[%add3A_11] : memref<320000xi32, #tpu.memory_space<hbm>> -> memref<80xi32, #tpu.memory_space<hbm>>
        %dma_wait3A_27 = tpu.memref_slice %arg4[%add3A_11] : memref<320000xi32, #tpu.memory_space<hbm>> -> memref<80xi32, #tpu.memory_space<hbm>>
        tpu.wait_dma2 semaphore(%run_scoped3A_23 : memref<!tpu.dma_semaphore, #tpu.memory_space<semaphore_mem>>) src(%dma_wait3A_27 : memref<80xi32, #tpu.memory_space<hbm>>) dst(%arg7 : memref<80xi32, #tpu.memory_space<vmem>>)
        tpu.yield
      }) : () -> ()
      %dma_start3A = arith.constant 0 : i32
      %dma_start3A_12 = arith.constant 0 : i32
      %dma_start3A_13 = tpu.memref_slice %arg2[%dma_start3A, %dma_start3A_12] : memref<10000x144xf32, #tpu.memory_space<hbm>> -> memref<10000x144xf32, #tpu.memory_space<hbm>>
      tpu.enqueue_indirect_dma source(%dma_start3A_13 : memref<10000x144xf32, #tpu.memory_space<hbm>>) target(%arg8 : memref<80x144xf32, #tpu.memory_space<vmem>>) offsets(%arg6 : memref<80xi32, #tpu.memory_space<vmem>>) semaphore(%arg10 : memref<!tpu.dma_semaphore, #tpu.memory_space<semaphore_mem>>)
      %dma_start3A_14 = arith.constant 0 : i32
      %dma_start3A_15 = arith.constant 0 : i32
      %dma_start3A_16 = tpu.memref_slice %arg2[%dma_start3A_14, %dma_start3A_15] : memref<10000x144xf32, #tpu.memory_space<hbm>> -> memref<10000x144xf32, #tpu.memory_space<hbm>>
      tpu.enqueue_indirect_dma source(%dma_start3A_16 : memref<10000x144xf32, #tpu.memory_space<hbm>>) target(%arg9 : memref<80x144xf32, #tpu.memory_space<vmem>>) offsets(%arg7 : memref<80xi32, #tpu.memory_space<vmem>>) semaphore(%arg11 : memref<!tpu.dma_semaphore, #tpu.memory_space<semaphore_mem>>)
      %dma_wait3A = arith.constant 0 : i32
      %dma_wait3A_17 = arith.constant 0 : i32
      %dma_wait3A_18 = tpu.memref_slice %arg2[%dma_wait3A, %dma_wait3A_17] : memref<10000x144xf32, #tpu.memory_space<hbm>> -> memref<10000x144xf32, #tpu.memory_space<hbm>>
      tpu.wait_indirect_dma semaphore(%arg10 : memref<!tpu.dma_semaphore, #tpu.memory_space<semaphore_mem>>) src(%dma_wait3A_18 : memref<10000x144xf32, #tpu.memory_space<hbm>>) dst(%arg8 : memref<80x144xf32, #tpu.memory_space<vmem>>)
      %dma_wait3A_19 = arith.constant 0 : i32
      %dma_wait3A_20 = arith.constant 0 : i32
      %dma_wait3A_21 = tpu.memref_slice %arg2[%dma_wait3A_19, %dma_wait3A_20] : memref<10000x144xf32, #tpu.memory_space<hbm>> -> memref<10000x144xf32, #tpu.memory_space<hbm>>
      tpu.wait_indirect_dma semaphore(%arg11 : memref<!tpu.dma_semaphore, #tpu.memory_space<semaphore_mem>>) src(%dma_wait3A_21 : memref<10000x144xf32, #tpu.memory_space<hbm>>) dst(%arg9 : memref<80x144xf32, #tpu.memory_space<vmem>>)
      %run_scoped3A = arith.constant 0 : i32
      "tpu.region"() ({
        %run_scoped3A_23 = tpu.sem_alloc : memref<!tpu.dma_semaphore, #tpu.memory_space<semaphore_mem>>
        %dma_start3A_24 = arith.constant 0 : i32
        %dma_start3A_25 = tpu.memref_slice %arg5[%run_scoped3A, %add3A_11, %dma_start3A_24] : memref<2x320000x144xf32, #tpu.memory_space<hbm>> -> memref<1x80x144xf32, #tpu.memory_space<hbm>>
        %dma_start3A_26 = tpu.memref_squeeze %dma_start3A_25 : memref<1x80x144xf32, #tpu.memory_space<hbm>> -> memref<80x144xf32, #tpu.memory_space<hbm>>
        %dma_start3A_27 = arith.constant 0 : i32
        %dma_start3A_28 = tpu.memref_slice %arg5[%run_scoped3A, %add3A_11, %dma_start3A_27] : memref<2x320000x144xf32, #tpu.memory_space<hbm>> -> memref<1x80x144xf32, #tpu.memory_space<hbm>>
        %dma_start3A_29 = tpu.memref_squeeze %dma_start3A_28 : memref<1x80x144xf32, #tpu.memory_space<hbm>> -> memref<80x144xf32, #tpu.memory_space<hbm>>
        tpu.enqueue_dma source(%arg8 : memref<80x144xf32, #tpu.memory_space<vmem>>) target(%dma_start3A_29 : memref<80x144xf32, #tpu.memory_space<hbm>>) target_semaphore(%run_scoped3A_23 : memref<!tpu.dma_semaphore, #tpu.memory_space<semaphore_mem>>)
        %dma_wait3A_30 = arith.constant 0 : i32
        %dma_wait3A_31 = tpu.memref_slice %arg5[%run_scoped3A, %add3A_11, %dma_wait3A_30] : memref<2x320000x144xf32, #tpu.memory_space<hbm>> -> memref<1x80x144xf32, #tpu.memory_space<hbm>>
        %dma_wait3A_32 = tpu.memref_squeeze %dma_wait3A_31 : memref<1x80x144xf32, #tpu.memory_space<hbm>> -> memref<80x144xf32, #tpu.memory_space<hbm>>
        %dma_wait3A_33 = arith.constant 0 : i32
        %dma_wait3A_34 = tpu.memref_slice %arg5[%run_scoped3A, %add3A_11, %dma_wait3A_33] : memref<2x320000x144xf32, #tpu.memory_space<hbm>> -> memref<1x80x144xf32, #tpu.memory_space<hbm>>
        %dma_wait3A_35 = tpu.memref_squeeze %dma_wait3A_34 : memref<1x80x144xf32, #tpu.memory_space<hbm>> -> memref<80x144xf32, #tpu.memory_space<hbm>>
        tpu.wait_dma2 semaphore(%run_scoped3A_23 : memref<!tpu.dma_semaphore, #tpu.memory_space<semaphore_mem>>) src(%arg8 : memref<80x144xf32, #tpu.memory_space<vmem>>) dst(%dma_wait3A_35 : memref<80x144xf32, #tpu.memory_space<hbm>>)
        tpu.yield
      }) : () -> ()
      %run_scoped3A_22 = arith.constant 1 : i32
      "tpu.region"() ({
        %run_scoped3A_23 = tpu.sem_alloc : memref<!tpu.dma_semaphore, #tpu.memory_space<semaphore_mem>>
        %dma_start3A_24 = arith.constant 0 : i32
        %dma_start3A_25 = tpu.memref_slice %arg5[%run_scoped3A_22, %add3A_11, %dma_start3A_24] : memref<2x320000x144xf32, #tpu.memory_space<hbm>> -> memref<1x80x144xf32, #tpu.memory_space<hbm>>
        %dma_start3A_26 = tpu.memref_squeeze %dma_start3A_25 : memref<1x80x144xf32, #tpu.memory_space<hbm>> -> memref<80x144xf32, #tpu.memory_space<hbm>>
        %dma_start3A_27 = arith.constant 0 : i32
        %dma_start3A_28 = tpu.memref_slice %arg5[%run_scoped3A_22, %add3A_11, %dma_start3A_27] : memref<2x320000x144xf32, #tpu.memory_space<hbm>> -> memref<1x80x144xf32, #tpu.memory_space<hbm>>
        %dma_start3A_29 = tpu.memref_squeeze %dma_start3A_28 : memref<1x80x144xf32, #tpu.memory_space<hbm>> -> memref<80x144xf32, #tpu.memory_space<hbm>>
        tpu.enqueue_dma source(%arg9 : memref<80x144xf32, #tpu.memory_space<vmem>>) target(%dma_start3A_29 : memref<80x144xf32, #tpu.memory_space<hbm>>) target_semaphore(%run_scoped3A_23 : memref<!tpu.dma_semaphore, #tpu.memory_space<semaphore_mem>>)
        %dma_wait3A_30 = arith.constant 0 : i32
        %dma_wait3A_31 = tpu.memref_slice %arg5[%run_scoped3A_22, %add3A_11, %dma_wait3A_30] : memref<2x320000x144xf32, #tpu.memory_space<hbm>> -> memref<1x80x144xf32, #tpu.memory_space<hbm>>
        %dma_wait3A_32 = tpu.memref_squeeze %dma_wait3A_31 : memref<1x80x144xf32, #tpu.memory_space<hbm>> -> memref<80x144xf32, #tpu.memory_space<hbm>>
        %dma_wait3A_33 = arith.constant 0 : i32
        %dma_wait3A_34 = tpu.memref_slice %arg5[%run_scoped3A_22, %add3A_11, %dma_wait3A_33] : memref<2x320000x144xf32, #tpu.memory_space<hbm>> -> memref<1x80x144xf32, #tpu.memory_space<hbm>>
        %dma_wait3A_35 = tpu.memref_squeeze %dma_wait3A_34 : memref<1x80x144xf32, #tpu.memory_space<hbm>> -> memref<80x144xf32, #tpu.memory_space<hbm>>
        tpu.wait_dma2 semaphore(%run_scoped3A_23 : memref<!tpu.dma_semaphore, #tpu.memory_space<semaphore_mem>>) src(%arg9 : memref<80x144xf32, #tpu.memory_space<vmem>>) dst(%dma_wait3A_35 : memref<80x144xf32, #tpu.memory_space<hbm>>)
        tpu.yield
      }) : () -> ()
    }
    %scan3A_7 = arith.constant 125 : i32
    return
  }
}

module attributes {stable_mosaic.version = 14 : i64} {
  func.func @_mlp_body(%arg0: i32, %arg1: memref<2x512x144xf32, #tpu.memory_space<vmem>>, %arg2: memref<144x384xf32, #tpu.memory_space<vmem>>, %arg3: memref<144x384xf32, #tpu.memory_space<vmem>>, %arg4: memref<1x384xf32, #tpu.memory_space<vmem>>, %arg5: memref<384x128xf32, #tpu.memory_space<vmem>>, %arg6: memref<1x128xf32, #tpu.memory_space<vmem>>, %arg7: memref<512x128xf32, #tpu.memory_space<vmem>>) attributes {dimension_semantics = [#tpu.dimension_semantics<arbitrary>], iteration_bounds = array<i64: 625>, scalar_prefetch = 0 : i64, scratch_operands = 0 : i64, tpu.core_type = #tpu.core_type<tc>, window_params = [{transform_indices = @transform_0, window_bounds = array<i64: 2, 512, 144>}, {pipeline_mode = #tpu.pipeline_mode<synchronous>, transform_indices = @transform_1, window_bounds = array<i64: 144, 384>}, {pipeline_mode = #tpu.pipeline_mode<synchronous>, transform_indices = @transform_2, window_bounds = array<i64: 144, 384>}, {pipeline_mode = #tpu.pipeline_mode<synchronous>, transform_indices = @transform_3, window_bounds = array<i64: 1, 384>}, {pipeline_mode = #tpu.pipeline_mode<synchronous>, transform_indices = @transform_4, window_bounds = array<i64: 384, 128>}, {pipeline_mode = #tpu.pipeline_mode<synchronous>, transform_indices = @transform_5, window_bounds = array<i64: 1, 128>}, {transform_indices = @transform_6, window_bounds = array<i64: 512, 128>}]} {
    %get3A = arith.constant 0 : index
    %get3A_0 = arith.constant 0 : index
    %get3A_1 = arith.constant 0 : index
    %get3A_2 = vector.load %arg1[%get3A, %get3A_0, %get3A_1] : memref<2x512x144xf32, #tpu.memory_space<vmem>>, vector<1x512x144xf32>
    %get3A_3 = vector.shape_cast %get3A_2 : vector<1x512x144xf32> to vector<512x144xf32>
    %get3A_4 = arith.constant 1 : index
    %get3A_5 = arith.constant 0 : index
    %get3A_6 = arith.constant 0 : index
    %get3A_7 = vector.load %arg1[%get3A_4, %get3A_5, %get3A_6] : memref<2x512x144xf32, #tpu.memory_space<vmem>>, vector<1x512x144xf32>
    %get3A_8 = vector.shape_cast %get3A_7 : vector<1x512x144xf32> to vector<512x144xf32>
    %get3A_9 = arith.constant 0 : index
    %get3A_10 = arith.constant 0 : index
    %get3A_11 = vector.load %arg2[%get3A_9, %get3A_10] : memref<144x384xf32, #tpu.memory_space<vmem>>, vector<144x384xf32>
    %dot_general3A = arith.constant dense<0.000000e+00> : vector<512x384xf32>
    %dot_general3A_12 = tpu.matmul %get3A_3, %get3A_11, %dot_general3A {dimension_numbers = #tpu.dot_dimension_numbers<[1], [0], [0], [1], [0, 0, 1, 1], [], []>, transpose_lhs_hint = false} : vector<512x144xf32>, vector<144x384xf32>, vector<512x384xf32> -> vector<512x384xf32>
    %get3A_13 = arith.constant 0 : index
    %get3A_14 = arith.constant 0 : index
    %get3A_15 = vector.load %arg3[%get3A_13, %get3A_14] : memref<144x384xf32, #tpu.memory_space<vmem>>, vector<144x384xf32>
    %dot_general3A_16 = arith.constant dense<0.000000e+00> : vector<512x384xf32>
    %dot_general3A_17 = tpu.matmul %get3A_8, %get3A_15, %dot_general3A_16 {dimension_numbers = #tpu.dot_dimension_numbers<[1], [0], [0], [1], [0, 0, 1, 1], [], []>, transpose_lhs_hint = false} : vector<512x144xf32>, vector<144x384xf32>, vector<512x384xf32> -> vector<512x384xf32>
    %add3A = arith.addf %dot_general3A_12, %dot_general3A_17 : vector<512x384xf32>
    %get3A_18 = arith.constant 0 : index
    %get3A_19 = arith.constant 0 : index
    %get3A_20 = vector.load %arg4[%get3A_18, %get3A_19] : memref<1x384xf32, #tpu.memory_space<vmem>>, vector<1x384xf32>
    %add3A_21 = vector.broadcast %get3A_20 : vector<1x384xf32> to vector<512x384xf32>
    %add3A_22 = arith.addf %add3A, %add3A_21 : vector<512x384xf32>
    %max3A = arith.constant 0.000000e+00 : f32
    %max3A_23 = vector.broadcast %max3A : f32 to vector<512x384xf32>
    %max3A_24 = arith.maximumf %add3A_22, %max3A_23 : vector<512x384xf32>
    %get3A_25 = arith.constant 0 : index
    %get3A_26 = arith.constant 0 : index
    %get3A_27 = vector.load %arg5[%get3A_25, %get3A_26] : memref<384x128xf32, #tpu.memory_space<vmem>>, vector<384x128xf32>
    %dot_general3A_28 = arith.constant dense<0.000000e+00> : vector<512x128xf32>
    %dot_general3A_29 = tpu.matmul %max3A_24, %get3A_27, %dot_general3A_28 {dimension_numbers = #tpu.dot_dimension_numbers<[1], [0], [0], [1], [0, 0, 1, 1], [], []>, transpose_lhs_hint = false} : vector<512x384xf32>, vector<384x128xf32>, vector<512x128xf32> -> vector<512x128xf32>
    %get3A_30 = arith.constant 0 : index
    %get3A_31 = arith.constant 0 : index
    %get3A_32 = vector.load %arg6[%get3A_30, %get3A_31] : memref<1x128xf32, #tpu.memory_space<vmem>>, vector<1x128xf32>
    %add3A_33 = vector.broadcast %get3A_32 : vector<1x128xf32> to vector<512x128xf32>
    %add3A_34 = arith.addf %dot_general3A_29, %add3A_33 : vector<512x128xf32>
    %swap3A = arith.constant 0 : index
    %swap3A_35 = arith.constant 0 : index
    %swap3A_36 = vector.load %arg7[%swap3A, %swap3A_35] : memref<512x128xf32, #tpu.memory_space<vmem>>, vector<512x128xf32>
    tpu.vector_store %arg7[%swap3A, %swap3A_35], %add3A_34 {strides = array<i32>} : memref<512x128xf32, #tpu.memory_space<vmem>>, vector<512x128xf32>,
    return
  }
  func.func @transform_0(%arg0: i32) -> (i32, i32, i32) {
    %c0_i32 = arith.constant 0 : i32
    %c0_i32_0 = arith.constant 0 : i32
    %c0_i32_1 = arith.constant 0 : i32
    return %c0_i32, %arg0, %c0_i32_0 : i32, i32, i32
  }
  func.func @transform_1(%arg0: i32) -> (i32, i32) {
    %c0_i32 = arith.constant 0 : i32
    %c0_i32_0 = arith.constant 0 : i32
    %c0_i32_1 = arith.constant 0 : i32
    return %c0_i32, %c0_i32_0 : i32, i32
  }
  func.func @transform_2(%arg0: i32) -> (i32, i32) {
    %c0_i32 = arith.constant 0 : i32
    %c0_i32_0 = arith.constant 0 : i32
    %c0_i32_1 = arith.constant 0 : i32
    return %c0_i32, %c0_i32_0 : i32, i32
  }
  func.func @transform_3(%arg0: i32) -> (i32, i32) {
    %c0_i32 = arith.constant 0 : i32
    %c0_i32_0 = arith.constant 0 : i32
    %c0_i32_1 = arith.constant 0 : i32
    return %c0_i32, %c0_i32_0 : i32, i32
  }
  func.func @transform_4(%arg0: i32) -> (i32, i32) {
    %c0_i32 = arith.constant 0 : i32
    %c0_i32_0 = arith.constant 0 : i32
    %c0_i32_1 = arith.constant 0 : i32
    return %c0_i32, %c0_i32_0 : i32, i32
  }
  func.func @transform_5(%arg0: i32) -> (i32, i32) {
    %c0_i32 = arith.constant 0 : i32
    %c0_i32_0 = arith.constant 0 : i32
    %c0_i32_1 = arith.constant 0 : i32
    return %c0_i32, %c0_i32_0 : i32, i32
  }
  func.func @transform_6(%arg0: i32) -> (i32, i32) {
    %c0_i32 = arith.constant 0 : i32
    %c0_i32_0 = arith.constant 0 : i32
    return %arg0, %c0_i32 : i32, i32
  }
}

</mosaic_0001>

<sc_bundles>
// kernel: kernel.4.cloned.1.call-start
scs
__scs_entry_jumppad:
0x0: {  	(pc) =	sbr.rel $0x88, $3  }
0x1: {  	(tag) =	ssettag $0x0;
	lr =	simm.s32 $0x1  }
0x2: {  	[smem:$0x3F9A] =	sst lr;
	_ =	strace $0xD0000000  }
0x3: {  	_ = 	snop  }
0x4: {  	_ = 	snop  }
0x5: {  	_ = 	snop  }
0x6: {  	_ = 	snop  }
0x7: {  	_ = 	snop  }
__scs_overlays_trampoline_lowered:
0x8: {  	[smem:$0x3FA9] =	sst s0  }
0x9: {  	[smem:$0x3FAA] =	sst s1  }
0xa: {  	[smem:$0x3FAB] =	sst s2  }
0xb: {  	[smem:$0x3FAC] =	sst s3  }
0xc: {  	[smem:$0x3FAD] =	sst s4  }
0xd: {  	[smem:$0x3FAE] =	sst s5  }
0xe: {  	[smem:$0x3FAF] =	sst s6  }
0xf: {  	[smem:$0x3FB0] =	sst s7  }
0x10: {  	[smem:$0x3FB1] =	sst s8  }
0x11: {  	[smem:$0x3FB2] =	sst s9;
	s0 =	simm.s32 @!p0 $0x0  }
0x12: {  	s1 =	sld [smem:$0x3F98];
	s0 =	simm.s32 @p0 $0x1  }
0x13: {  	[smem:$0x3FB3] =	sst s0;
	s0 =	simm.s32 @!p1 $0x0  }
0x14: {  	s2 =	sld [smem:$0x3F97];
	s0 =	simm.s32 @p1 $0x1  }
0x15: {  	[smem:$0x3FB4] =	sst s0;
	s0 =	simm.s32 @!p2 $0x0  }
0x16: {  	s3 =	sld [smem:$0x3FDB];
	s0 =	simm.s32 @p2 $0x1  }
0x17: {  	s4 =	simm.s32 $0x1BF5;
	[smem:$0x3FB6] =	sst s0  }
0x18: {  	s0 =	sld [smem:$0x3F99];
	_ =	swait.ge [sflag:s4], $0x0  }
0x19: {  	s7 =	sld [smem:$0x3F9A]  }
0x1a: {  	s8 =	sadd.s32 $0xFFFFE003, lr  }
0x1b: {  	s9 =	sadd.s32 $0xFFFFFEF7, lr;
	s5 =	simm.s32 $0xFFFFFFFF;
	p2 =	slt.u32 s8, $0xFFFFF086  }
0x1c: {  	p1 =	slt.u32 s9, $0xF7A;
	s5 =	simm.s32 @!p2 $0x0  }
0x1d: {  	s5 =	simm.s32 @p1 $0x1;
	p0 =	seq.s32 s7, s2  }
0x1e: {  	s7 =	smul.u32 @!p0 $0xF7A, s2;
	p2 =	seq.s32 @!p0 s5, $0x0  }
0x1f: {  	s9 =	smul.u32 $0xF7A, s1;
	s8 =	simm.s32 @!p0 $0x1BF5;
	p2 =	por !p2, p0  }
0x20: {  	[sflag:s8] =	ssyncset.s32 @!p0 $0xFFFFF086;
	s6 =	sadd.s32 @!p0 s3, s7;
	s7 =	simm.s32 @!p0 $0x108  }
0x21: {  	s3 =	sadd.s32 s3, s9;
	s6 =	sadd.s32 @!p0 $0x88, s6;
	s7 =	simm.s32 @p2 $0x1082  }
0x22: {  	[simem:s7], [sflag:s8] =	dma.local @!p0 [hbm:s6], $0xF7A  }
0x23: {  	s9 =	sor.u32 $0xD0000000, s2;
	s6 =	simm.s32 $0x108;
	_ =	swait.ge @!p0 [sflag:s8], $0x0  }
0x24: {  	s3 =	sadd.s32 $0x88, s3;
	s6 =	simm.s32 @!p1 $0x1082;
	[sflag:s4] =	ssyncset.s32 $0xFFFFF086  }
0x25: {  	[simem:s6], [sflag:s4] =	dma.local [hbm:s3], $0xF7A  }
0x26: {  	[smem:$0x3F9A] =	sst s1;
	(tag) =	ssettag s2;
	_ =	strace s9  }
0x27: {  	s1 =	sld [smem:$0x3FAA]  }
0x28: {  	s2 =	sld [smem:$0x3FAB]  }
0x29: {  	s4 =	sld [smem:$0x3FAD]  }
0x2a: {  	p0 =	seq.s32 s5, $0x0;
	s5 =	sld [smem:$0x3FAE]  }
0x2b: {  	s6 =	sld [smem:$0x3FAF]  }
0x2c: {  	s7 =	sld [smem:$0x3FB0]  }
0x2d: {  	s3 =	simm.s32 $0x108;
	s8 =	sld [smem:$0x3FB1]  }
0x2e: {  	s3 =	simm.s32 @!p0 $0x1082;
	s9 =	sld [smem:$0x3FB2]  }
0x2f: {  	lr =	sadd.s32 s0, s3;
	s0 =	sld [smem:$0x3FA9]  }
0x30: {  	s3 =	sld [smem:$0x3FAC]  }
0x31: {  	[smem:$0x3FB5] =	sst s10  }
0x32: {  	s10 =	sld [smem:$0x3FB3];
	_ =	sdelay $0x3  }
0x33: {  	p0 =	seq.s32 s10, $0x1;
	s10 =	sld [smem:$0x3FB5];
	_ =	sdelay $0x3  }
0x34: {  	[smem:$0x3FB5] =	sst s10  }
0x35: {  	s10 =	sld [smem:$0x3FB4];
	_ =	sdelay $0x3  }
0x36: {  	p1 =	seq.s32 s10, $0x1;
	s10 =	sld [smem:$0x3FB5];
	_ =	sdelay $0x3  }
0x37: {  	[smem:$0x3FB5] =	sst s10  }
0x38: {  	s10 =	sld [smem:$0x3FB6]  }
0x39: {  	_ = 	snop;
	(pc) =	sbr.ind lr, $3  }
0x3a: {  	_ = 	snop  }
0x3b: {  	_ = 	snop  }
0x3c: {  	p2 =	seq.s32 s10, $0x1;
	s10 =	sld [smem:$0x3FB5]  }
0x3d: {  	_ =	shalt  }
0x3e: {  	_ =	shalt  }
0x3f: {  	_ =	shalt  }
0x40: {  	_ =	shalt  }
0x41: {  	_ =	shalt  }
0x42: {  	_ =	shalt  }
0x43: {  	_ =	shalt  }
0x44: {  	_ =	shalt  }
0x45: {  	_ =	shalt  }
0x46: {  	_ =	shalt  }
0x47: {  	_ =	shalt  }
0x48: {  	_ =	shalt  }
0x49: {  	_ =	shalt  }
0x4a: {  	_ =	shalt  }
0x4b: {  	_ =	shalt  }
0x4c: {  	_ =	shalt  }
0x4d: {  	_ =	shalt  }
0x4e: {  	_ =	shalt  }
0x4f: {  	_ =	shalt  }
0x50: {  	_ =	shalt  }
0x51: {  	_ =	shalt  }
0x52: {  	_ =	shalt  }
0x53: {  	_ =	shalt  }
0x54: {  	_ =	shalt  }
0x55: {  	_ =	shalt  }
0x56: {  	_ =	shalt  }
0x57: {  	_ =	shalt  }
0x58: {  	_ =	shalt  }
0x59: {  	_ =	shalt  }
0x5a: {  	_ =	shalt  }
0x5b: {  	_ =	shalt  }
0x5c: {  	_ =	shalt  }
0x5d: {  	_ =	shalt  }
0x5e: {  	_ =	shalt  }
0x5f: {  	_ =	shalt  }
0x60: {  	_ =	shalt  }
0x61: {  	_ =	shalt  }
0x62: {  	_ =	shalt  }
0x63: {  	_ =	shalt  }
0x64: {  	_ =	shalt  }
0x65: {  	_ =	shalt  }
0x66: {  	_ =	shalt  }
0x67: {  	_ =	shalt  }
0x68: {  	_ =	shalt  }
0x69: {  	_ =	shalt  }
0x6a: {  	_ =	shalt  }
0x6b: {  	_ =	shalt  }
0x6c: {  	_ =	shalt  }
0x6d: {  	_ =	shalt  }
0x6e: {  	_ =	shalt  }
0x6f: {  	_ =	shalt  }
0x70: {  	_ =	shalt  }
0x71: {  	_ =	shalt  }
0x72: {  	_ =	shalt  }
0x73: {  	_ =	shalt  }
0x74: {  	_ =	shalt  }
0x75: {  	_ =	shalt  }
0x76: {  	_ =	shalt  }
0x77: {  	_ =	shalt  }
0x78: {  	_ =	shalt  }
0x79: {  	_ =	shalt  }
0x7a: {  	_ =	shalt  }
0x7b: {  	_ =	shalt  }
0x7c: {  	_ =	shalt  }
0x7d: {  	_ =	shalt  }
0x7e: {  	_ =	shalt  }
0x7f: {  	_ =	shalt  }
0x80: {  	_ =	shalt  }
0x81: {  	_ =	shalt  }
0x82: {  	_ =	shalt  }
0x83: {  	_ =	shalt  }
0x84: {  	_ =	shalt  }
0x85: {  	_ =	shalt  }
0x86: {  	_ =	shalt  }
0x87: {  	_ =	shalt  }
.Lfunc_end0:
.L_simem_size_0:
called_computation_lowered:
.L_overlay_start_0:
0x88: {  	s2 =	sld [smem:$0x3FD9]  }
0x89: {  	s3 =	sld [smem:$0x3FFE];
	_ =	sdelay $0x1  }
0x8a: {  	s1 =	srdreg.scid  }
0x8b: {  	s0 =	sand.u32 $0x1, s1  }
0x8c: {  	s17 =	sshll.u32 s0, $0xA;
	s2 =	sadd.s32 s3, s2  }
0x8d: {  	s2 =	sadd.s32 s2, s17  }
0x8e: {  	[smem:$0x3FC1] =	sst s2  }
0x8f: {  	_ = 	snop  }
0x90: {  	s2 =	sld [smem:$0x3FD0];
	(tm) =	ssettm $0x1  }
0x91: {  	s18 =	sld [smem:$0x3FFB];
	_ =	sdelay $0x3  }
0x92: {  	_ =	strace s18  }
0x93: {  	s3 =	sld [smem:$0x3FFC];
	_ =	sdelay $0x3  }
0x94: {  	_ =	strace s3  }
0x95: {  	s3 =	sld [smem:$0x3FFD];
	_ =	sdelay $0x3  }
0x96: {  	_ =	strace s3  }
0x97: {  	_ =	strace $0x8FFFFFFF  }
0x98: {  	s19 =	sld [smem:$0x3FDB];
	_ =	sdelay $0x1  }
0x99: {  	s4 =	simm.s32 $_scs_section_size  }
0x9a: {  	s5 =	simm.s32 $_size__tile_overlayer_lowered;
	s6 =	simm.s32 $_tile_overlayer_lowered  }
0x9b: {  	s22 =	simm.s32 $0x1BFF;
	s21 =	sshll.u32 s6, $0x1;
	s3 =	sadd.s32 s4, s19  }
0x9c: {  	s7 =	simm.s32 $0x0;
	s20 =	sshll.u32 s5, $0x1;
	s5 =	sadd.s32 s21, s3  }
0x9d: {  	[timem:s7], [sflag:s22] =	dma.local [hbm:s5], s20  }
0x9e: {  	_ =	swait.ge [sflag:s22], s20  }
0x9f: {  	s4 =	ssub.s32 $0x0, s20;
	[sflag:s22] =	ssyncset.done $0x0  }
0xa0: {  	[sflag:s22] =	ssyncadd.s32 s4;
	_ =	sdelay $0x1  }
0xa1: {  	s23 =	simm.s32 $0x1B8B  }
0xa2: {  	_ =	swait.ge [sflag:s23], $0x1  }
0xa3: {  	[sflag:s23] =	ssyncset.done $0x0  }
0xa4: {  	s25 =	simm.s32 $0x1B8E;
	s24 =	sld [smem:$0x3FFE];
	[sflag:s23] =	ssyncadd.s32 $0xFFFFFFFF  }
0xa5: {  	s26 =	simm.s32 $execute0_lowered;
	[smem:$0x3FD2] =	sst s25  }
0xa6: {  	s5 =	sshll.u32 s26, $0x1;
	_ =	strace $0x80000046;
	[dreg:$0x1] =	wrdreg $0xFFFFFFFF  }
0xa7: {  	s28 =	simm.s32 $_size_execute0_lowered;
	s3 =	sadd.s32 s3, s5;
	[dreg:$0x0] =	wrdreg $0x0  }
0xa8: {  	s5 =	sshll.u32 s28, $0x1;
	[dreg:$0x2] =	wrdreg s3  }
0xa9: {  	[dreg:$0x3] =	wrdreg s5  }
0xaa: {  	[dreg:$0x4] =	wrdreg $0xC0  }
0xab: {  	_ =	task [dreg:s7], $0x5FFFF  }
0xac: {  	[dreg:$0x1] =	wrdreg $0xFFFFFFFF  }
0xad: {  	[dreg:$0x0] =	wrdreg $0x60  }
0xae: {  	[dreg:$0x2] =	wrdreg s2  }
0xaf: {  	[dreg:$0x3] =	wrdreg s24  }
0xb0: {  	[dreg:$0x4] =	wrdreg $0x9  }
0xb1: {  	_ =	task.clear_ibuf [dreg:s7], $0x5FFFF;
	_ =	strace $0x90000046  }
0xb2: {  	s29 =	simm.s32 $0x9;
	_ =	strace $0x80000048  }
0xb3: {  	_ =	swait.ge [sflag:s29], $0x1  }
0xb4: {  	[sflag:s29] =	ssyncadd.s32 $0xFFFFFFFF  }
0xb5: {  	_ =	strace $0x90000048  }
0xb6: {  	_ =	sfence  }
0xb7: {  	s30 =	sld [smem:$0x0];
	_ =	sdelay $0x2  }
0xb8: {  	s31 =	sshll.u32 s1, $0xD;
	s1 =	sshrl.u32 s1, $0x2  }
0xb9: {  	s3 =	sand.u32 $0x4000, s31;
	s1 =	sadd.s32 s1, s30  }
0xba: {  	s0 =	sor.u32 s3, s0;
	s1 =	sshll.u32 s1, $0x11  }
0xbb: {  	s0 =	sor.u32 s1, s0  }
0xbc: {  	s0 =	sadd.s32 $0x8F2B, s0  }
0xbd: {  	[sflag:s0] =	ssyncadd.remote.s32 $0x1  }
0xbe: {  	_ =	sfence.sel $0xFFFF  }
0xbf: {  	[dreg:$0x0] =	wrdreg $0xFFFFFFFF;
	(pc) =	sbr.abs _section_cstart, $3  }
0xc0: {  	[dreg:$0x1] =	wrdreg $0xFFFFFFFF  }
0xc1: {  	_ =	task.clear_ibuf [dreg:s7], $0x2FFFF;
	_ =	strace $0x9FFFFFFF  }
0xc2: {  	(tm) =	ssettm $0x7FFFFFFF  }
0xc3: {  	_ =	shalt  }
tec
execute0_lowered:
.L_overlay_start_1:
0x0: {  	(tag) =	ssettag $0x1  }
0x1: {  	s1 =	srdreg.scid  }
0x2: {  	s0 =	stileid.u32;
	s2 =	rddreg [dreg:$0x0]  }
0x3: {  	s6 =	rddreg [dreg:$0x1];
	s3 =	simm.s32 $0x0;
	s11 =	simm.s32 $0xA0  }
0x4: {  	s12 =	simm.s32 $0x2DA0;
	s13 =	simm.s32 $0x1;
	s5 =	smul.u32 $0x4E20, s0  }
0x5: {  	s14 =	simm.s32 $0x2;
	s4 =	sand.u32 $0x1, s1;
	s28 =	smul.u32 $0x2BF200, s0  }
0x6: {  	s15 =	simm.s32 $0x0;
	s1 =	rddreg [dreg:$0x2];
	s7 =	smul.u32 $0x2710, s4  }
0x7: {  	[smem:$0x7FF] =	sst s3;
	s8 =	ssub.s32 $0x2, s4;
	s4 =	smul.u32 $0x15F900, s4  }
0x8: {  	s10 =	sadd.s32 $0x15200, s6;
	_ =	strace $0x80000047;
	s5 =	sadd.s32 s7, s5  }
0x9: {  	s29 =	sshrl.u32 s8, $0x1;
	s7 =	sadd.s32 s4, s28;
	s5 =	sshrl.u32 s5, $0x3  }
0xa: {  	s30 =	sadd.s32 $0x2BF2000, s7;
	s9 =	sadd.s32 s5, s6;
	s5 =	ssub.s32 s8, s29  }
0xb: {  	s31 =	sshrl.u32 s7, $0x3;
	s8 =	sshrl.u32 s30, $0x3;
	s4 =	smax.u32 s5, $0x1  }
0xc: {  	s5 =	sadd.s32 $0x1600, s9;
	s6 =	sadd.s32 $0xB400, s9;
	s7 =	sadd.s32 s8, s10  }
0xd: {  	s8 =	sadd.s32 s31, s10;
	s9 =	simm.s32 $0x3;
	s10 =	simm.s32 $0x50  }
.LBB2_1:
0xe: {  	s16 =	sadd.s32 $0x0, s6  }
0xf: {  	[tilespmem:s3], [sflag:$0x3] =	stream.linear.gather [hbm4b:s16+s3], $0x50, $0x38;
	[tilespmem:$0x5AA0] =	vst v63  }
0x10: {  	_ =	swait.ge [sflag:s9], $0x50  }
0x11: {  	[sflag:s9] =	ssyncset.done $0x0  }
0x12: {  	s31 =	sadd.s32 $0x0, s5;
	[sflag:s9] =	ssyncadd.s32 $0xFFFFFFB0  }
0x13: {  	[tilespmem:s10], [sflag:$0x3] =	stream.linear.gather [hbm4b:s31+s3], $0x50, $0x38;
	[tilespmem:$0x5AA0] =	vst v63  }
0x14: {  	_ =	swait.ge [sflag:s9], $0x50  }
0x15: {  	[sflag:s9] =	ssyncset.done $0x0  }
0x16: {  	[sflag:s9] =	ssyncadd.s32 $0xFFFFFFB0  }
0x17: {  	[tilespmem:s11], [sflag:$0x1] =	stream.indirect.gather [hbm4b:s2+s10], $0x90, s3, s10, $0xb8;
	[tilespmem:$0x5AA0] =	vst v63  }
0x18: {  	_ = 	snop  }
0x19: {  	[tilespmem:s12], [sflag:$0x2] =	stream.indirect.gather [hbm4b:s2+s10], $0x90, s10, s10, $0xb8;
	[tilespmem:$0x5AA0] =	vst v63  }
0x1a: {  	_ =	swait.ge [sflag:s13], $0x2D00  }
0x1b: {  	[sflag:s13] =	ssyncset.done $0x0  }
0x1c: {  	[sflag:s13] =	ssyncadd.s32 $0xFFFFD300  }
0x1d: {  	_ =	swait.ge [sflag:s14], $0x2D00  }
0x1e: {  	[sflag:s14] =	ssyncset.done $0x0  }
0x1f: {  	[sflag:s14] =	ssyncadd.s32 $0xFFFFD300  }
0x20: {  	[hbm4b:s8+s3] =	stream.linear.scatter [tilespmem:s11], [sflag:$0x3], $0x2D00, $0x38;
	[tilespmem:$0x5AA0] =	vst v63  }
0x21: {  	_ =	swait.ge [sflag:s9], $0x2D00  }
0x22: {  	[sflag:s9] =	ssyncset.done $0x0  }
0x23: {  	[sflag:s9] =	ssyncadd.s32 $0xFFFFD300  }
0x24: {  	[hbm4b:s7+s3] =	stream.linear.scatter [tilespmem:s12], [sflag:$0x3], $0x2D00, $0x38;
	[tilespmem:$0x5AA0] =	vst v63  }
0x25: {  	s18 =	simm.s32 $0xA;
	s19 =	simm.s32 $0x14;
	_ =	swait.ge [sflag:s9], $0x2D00  }
0x26: {  	s17 =	sadd.s32 $0x5A0, s8;
	s16 =	sadd.s32 $0x5A0, s7;
	[sflag:s9] =	ssyncset.done $0x0  }
.LBB2_2:
0x27: {  	s20 =	sadd.s32 s18, s6  }
0x28: {  	[sflag:s9] =	ssyncadd.s32 $0xFFFFD300;
	s21 =	smov.u32 s19;
	s22 =	sadd.s32 $0xA, s19  }
0x29: {  	[tilespmem:s3], [sflag:$0x3] =	stream.linear.gather [hbm4b:s20+s3], $0x50, $0x38;
	[tilespmem:$0x5AA0] =	vst v63  }
0x2a: {  	p0 =	sne.s32 s19, $0x4D8;
	_ =	swait.ge [sflag:s9], $0x50  }
0x2b: {  	[sflag:s9] =	ssyncset.done $0x0  }
0x2c: {  	s19 =	sadd.s32 s18, s5;
	s18 =	smov.u32 s21;
	[sflag:s9] =	ssyncadd.s32 $0xFFFFFFB0  }
0x2d: {  	[tilespmem:s10], [sflag:$0x3] =	stream.linear.gather [hbm4b:s19+s3], $0x50, $0x38;
	[tilespmem:$0x5AA0] =	vst v63  }
0x2e: {  	_ =	swait.ge [sflag:s9], $0x50  }
0x2f: {  	[sflag:s9] =	ssyncset.done $0x0  }
0x30: {  	[sflag:s9] =	ssyncadd.s32 $0xFFFFFFB0  }
0x31: {  	[tilespmem:s11], [sflag:$0x1] =	stream.indirect.gather [hbm4b:s2+s10], $0x90, s3, s10, $0xb8;
	[tilespmem:$0x5AA0] =	vst v63  }
0x32: {  	_ = 	snop  }
0x33: {  	[tilespmem:s12], [sflag:$0x2] =	stream.indirect.gather [hbm4b:s2+s10], $0x90, s10, s10, $0xb8;
	[tilespmem:$0x5AA0] =	vst v63  }
0x34: {  	_ =	swait.ge [sflag:s13], $0x2D00  }
0x35: {  	[sflag:s13] =	ssyncset.done $0x0  }
0x36: {  	[sflag:s13] =	ssyncadd.s32 $0xFFFFD300  }
0x37: {  	_ =	swait.ge [sflag:s14], $0x2D00  }
0x38: {  	[sflag:s14] =	ssyncset.done $0x0  }
0x39: {  	[sflag:s14] =	ssyncadd.s32 $0xFFFFD300  }
0x3a: {  	[hbm4b:s17+s3] =	stream.linear.scatter [tilespmem:s11], [sflag:$0x3], $0x2D00, $0x38;
	[tilespmem:$0x5AA0] =	vst v63  }
0x3b: {  	_ =	swait.ge [sflag:s9], $0x2D00  }
.Ltmp0:
0x3c: {  	[sflag:s9] =	ssyncset.done $0x0;
	(pc) =	sbr.rel @p0 .LBB2_2-.Ltmp0, $4  }
0x3d: {  	[sflag:s9] =	ssyncadd.s32 $0xFFFFD300  }
0x3e: {  	[hbm4b:s16+s3] =	stream.linear.scatter [tilespmem:s12], [sflag:$0x3], $0x2D00, $0x38;
	[tilespmem:$0x5AA0] =	vst v63  }
0x3f: {  	s19 =	smov.u32 s22;
	_ =	swait.ge [sflag:s9], $0x2D00  }
0x40: {  	s17 =	sadd.s32 $0x5A0, s17;
	s16 =	sadd.s32 $0x5A0, s16;
	[sflag:s9] =	ssyncset.done $0x0  }
0x41: {  	s19 =	sadd.s32 s18, s6;
	[sflag:s9] =	ssyncadd.s32 $0xFFFFD300  }
0x42: {  	[tilespmem:s3], [sflag:$0x3] =	stream.linear.gather [hbm4b:s19+s3], $0x50, $0x38;
	[tilespmem:$0x5AA0] =	vst v63  }
0x43: {  	_ =	swait.ge [sflag:s9], $0x50  }
0x44: {  	[sflag:s9] =	ssyncset.done $0x0  }
0x45: {  	s31 =	sadd.s32 s18, s5;
	[sflag:s9] =	ssyncadd.s32 $0xFFFFFFB0  }
0x46: {  	[tilespmem:s10], [sflag:$0x3] =	stream.linear.gather [hbm4b:s31+s3], $0x50, $0x38;
	[tilespmem:$0x5AA0] =	vst v63  }
0x47: {  	_ =	swait.ge [sflag:s9], $0x50  }
0x48: {  	[sflag:s9] =	ssyncset.done $0x0  }
0x49: {  	[sflag:s9] =	ssyncadd.s32 $0xFFFFFFB0  }
0x4a: {  	[tilespmem:s11], [sflag:$0x1] =	stream.indirect.gather [hbm4b:s2+s10], $0x90, s3, s10, $0xb8;
	[tilespmem:$0x5AA0] =	vst v63  }
0x4b: {  	_ = 	snop  }
0x4c: {  	[tilespmem:s12], [sflag:$0x2] =	stream.indirect.gather [hbm4b:s2+s10], $0x90, s10, s10, $0xb8;
	[tilespmem:$0x5AA0] =	vst v63  }
0x4d: {  	_ =	swait.ge [sflag:s13], $0x2D00  }
0x4e: {  	[sflag:s13] =	ssyncset.done $0x0  }
0x4f: {  	[sflag:s13] =	ssyncadd.s32 $0xFFFFD300  }
0x50: {  	_ =	swait.ge [sflag:s14], $0x2D00  }
0x51: {  	[sflag:s14] =	ssyncset.done $0x0  }
0x52: {  	[sflag:s14] =	ssyncadd.s32 $0xFFFFD300  }
0x53: {  	[hbm4b:s17+s3] =	stream.linear.scatter [tilespmem:s11], [sflag:$0x3], $0x2D00, $0x38;
	[tilespmem:$0x5AA0] =	vst v63  }
0x54: {  	s15 =	sadd.s32 $0x1, s15;
	_ =	swait.ge [sflag:s9], $0x2D00  }
0x55: {  	p0 =	sne.s32 s15, s4;
	[sflag:s9] =	ssyncset.done $0x0  }
.Ltmp1:
0x56: {  	[sflag:s9] =	ssyncadd.s32 $0xFFFFD300;
	(pc) =	sbr.rel @p0 .LBB2_1-.Ltmp1, $4  }
0x57: {  	[hbm4b:s16+s3] =	stream.linear.scatter [tilespmem:s12], [sflag:$0x3], $0x2D00, $0x38;
	[tilespmem:$0x5AA0] =	vst v63  }
0x58: {  	_ =	swait.ge [sflag:s9], $0x2D00  }
0x59: {  	[sflag:s9] =	ssyncset.done $0x0  }
0x5a: {  	[sflag:s9] =	ssyncadd.s32 $0xFFFFD300  }
0x5b: {  	_ =	sfence.sel $0x180000  }
0x5c: {  	[bflag:$0x0] =	sbarrier.arrive $0xFFFF  }
0x5d: {  	p0 =	sne.s32 s0, $0x0;
	_ =	strace $0x90000047  }
0x5e: {  	s0 =	sadd.s32 @!p0 $0x100000, s1;
	[bflag:$0x2] =	sbarrier.arrive $0xFFFF  }
0x5f: {  	[sflag:s0] =	ssyncadd.tile.s32 @!p0 $0x1;
	_ =	shalt  }
.Lfunc_end2:
_tile_overlayer_lowered:
.L_overlay_start_2:
0x60: {  	(tag) =	ssettag $0x2  }
0x61: {  	s0 =	rddreg [dreg:$0x0];
	s2 =	stileid.u32  }
0x62: {  	s1 =	rddreg [dreg:$0x1];
	p0 =	sne.s32 s2, $0x0  }
0x63: {  	s3 =	rddreg [dreg:$0x2];
	[bflag:$0x3] =	sbarrier.arrive $0xFFFF;
	s2 =	simm.s32 @!p0 $0x1C03  }
0x64: {  	[timem:s3], [sflag:s2] =	dma.local @!p0 [hbm:s0], s1  }
0x65: {  	s0 =	simm.s32 @!p0 $0x3  }
0x66: {  	_ =	swait.ge @!p0 [sflag:s0], s1  }
0x67: {  	s1 =	ssub.s32 @!p0 $0x0, s1;
	[sflag:s0] =	ssyncset.done @!p0 $0x0  }
0x68: {  	[sflag:s0] =	ssyncadd.s32 @!p0 s1  }
0x69: {  	[bflag:$0x3] =	sbarrier.arrive $0xFFFF  }
0x6a: {  	_ =	shalt  }

</sc_bundles>
